<compile_context>
chip_gen: v7x
topology: tpu7x:2x2x1
jax: 0.10.2.dev20260603
libtpu: 0.0.44.dev20260713+nightly
codegen_flags: <defaults>
</compile_context>

<pallas_src>
import functools

import jax
import jax.numpy as jnp
from jax.experimental import pallas as pl
from jax.experimental.pallas import tpu as pltpu
from jax.experimental.pallas import tpu_sc as plsc

_IMG = 512.0
_N = 20000
_CLS = 80
_PRE_K = 1000
_POST_K = 100
_PAD_K = 1024
_IOU_THR = 0.5

_f32 = jnp.float32


def _score_body(scores_ref, sc_ref):
    sc_ref[...] = jnp.max(jax.nn.sigmoid(scores_ref[...]), axis=1)


def _dot(a, b, dims):
    return jax.lax.dot_general(
        a, b, (dims, ((), ())),
        precision=jax.lax.Precision.HIGHEST,
        preferred_element_type=_f32,
    )


def _decode(x1, y1, x2, y2, d0, d1, d2, d3):
    px = (x1 + x2) * 0.5
    py = (y1 + y2) * 0.5
    pw = x2 - x1
    ph = y2 - y1
    dw = jnp.clip(d2, -4.0, 4.0)
    dh = jnp.clip(d3, -4.0, 4.0)
    gx = px + pw * d0
    gy = py + ph * d1
    gw = pw * jnp.exp(dw)
    gh = ph * jnp.exp(dh)
    cx1 = jnp.clip(gx - gw * 0.5, 0.0, _IMG)
    cy1 = jnp.clip(gy - gh * 0.5, 0.0, _IMG)
    cx2 = jnp.clip(gx + gw * 0.5, 0.0, _IMG)
    cy2 = jnp.clip(gy + gh * 0.5, 0.0, _IMG)
    return cx1, cy1, cx2, cy2


def _nms_body(sc_col_ref, cg_ref, cgt_ref, out_ref, m_ref, lt_ref):
    cx1, cy1, cx2, cy2 = _decode(
        cg_ref[:, 0:1], cg_ref[:, 1:2], cg_ref[:, 2:3], cg_ref[:, 3:4],
        cg_ref[:, 4:5], cg_ref[:, 5:6], cg_ref[:, 6:7], cg_ref[:, 7:8])
    rx1, ry1, rx2, ry2 = _decode(
        cgt_ref[0:1, :], cgt_ref[1:2, :], cgt_ref[2:3, :], cgt_ref[3:4, :],
        cgt_ref[4:5, :], cgt_ref[5:6, :], cgt_ref[6:7, :], cgt_ref[7:8, :])

    ltx = jnp.maximum(cx1, rx1)
    lty = jnp.maximum(cy1, ry1)
    rbx = jnp.minimum(cx2, rx2)
    rby = jnp.minimum(cy2, ry2)
    wx = jnp.clip(rbx - ltx, 0.0, None)
    wy = jnp.clip(rby - lty, 0.0, None)
    inter = wx * wy
    a_col = (cx2 - cx1) * (cy2 - cy1)
    a_row = (rx2 - rx1) * (ry2 - ry1)
    union = ((a_col + a_row) - inter) + 1e-6
    i0 = jax.lax.broadcasted_iota(jnp.int32, (_PAD_K, _PAD_K), 0)
    i1 = jax.lax.broadcasted_iota(jnp.int32, (_PAD_K, _PAD_K), 1)
    upper = i0 < i1
    sup_m = (inter > _IOU_THR * union) & upper & (i0 < _PRE_K)
    m_ref[...] = jnp.where(sup_m, 1.0, 0.0).astype(jnp.bfloat16)
    lt_ref[...] = jnp.where(upper, 1.0, 0.0).astype(jnp.bfloat16)

    lidx = jax.lax.broadcasted_iota(jnp.int32, (1, _PAD_K), 1)

    def cond(c):
        return c[1]

    def body(c):
        k, _ = c
        counts = jax.lax.dot_general(
            k.astype(jnp.bfloat16), m_ref[...], ((((1,), (0,))), ((), ())),
            preferred_element_type=_f32)
        knew = jnp.where(counts >= 0.5, 0.0, 1.0)
        return knew, jnp.sum(jnp.abs(knew - k)) > 0.0

    k, _ = jax.lax.while_loop(
        cond, body, (jnp.ones((1, _PAD_K), _f32), True))

    padm = lidx >= _PRE_K
    u_row = jnp.where((k > 0.5) & ~padm, 1.0, 0.0)
    s_row = jnp.where((k < 0.5) & ~padm, 1.0, 0.0)
    us = jnp.concatenate([u_row, s_row], axis=0).astype(jnp.bfloat16)
    cums = jax.lax.dot_general(
        us, lt_ref[...], ((((1,), (0,))), ((), ())),
        preferred_element_type=_f32)
    ucum = cums[0:1, :]
    scum = cums[1:2, :]
    num_u = jnp.sum(u_row)
    rank = jnp.where(padm, 5000.0, jnp.where(k < 0.5, num_u + scum, ucum))

    r_iota = jax.lax.broadcasted_iota(jnp.int32, (_POST_K, _PAD_K), 0).astype(_f32)
    oneh = jnp.where(r_iota == rank, 1.0, 0.0)

    counts_col = jax.lax.dot_general(
        m_ref[...], k.astype(jnp.bfloat16), ((((0,), (1,))), ((), ())),
        preferred_element_type=_f32)
    ridx = jax.lax.broadcasted_iota(jnp.int32, (_PAD_K, 1), 0)
    k_col = jnp.where(ridx >= _PRE_K, -2.0,
                      jnp.where(counts_col >= 0.5, -1.0, sc_col_ref[...]))
    feat = jnp.concatenate([cx1, cy1, cx2, cy2, k_col], axis=1)
    out_ref[...] = _dot(oneh, feat, ((1,), (0,)))


_NW = 32
_BPW = _PAD_K // _NW


def _gather_body(table_hbm, idx_hbm, out_hbm, idx_v, rows_v, sem):
    wid = jax.lax.axis_index("s") * 2 + jax.lax.axis_index("c")
    base = wid * _BPW
    pltpu.sync_copy(idx_hbm.at[pl.ds(base, _BPW)], idx_v)
    pltpu.async_copy(table_hbm.at[idx_v], rows_v, sem).wait()
    pltpu.sync_copy(rows_v, out_hbm.at[pl.ds(base, _BPW)])


def _sc_gather(table, idx):
    mesh = plsc.VectorSubcoreMesh(core_axis_name="c", subcore_axis_name="s")
    return pl.kernel(
        _gather_body,
        mesh=mesh,
        compiler_params=pltpu.CompilerParams(use_tc_tiling_on_sc=False),
        out_type=jax.ShapeDtypeStruct((_PAD_K, 16), _f32),
        scratch_types=[
            pltpu.VMEM((_BPW,), jnp.int32),
            pltpu.VMEM((_BPW, 16), _f32),
            pltpu.SemaphoreType.DMA,
        ],
    )(table, idx)


def kernel(boxes, deltas, scores):
    sc = pl.pallas_call(
        _score_body,
        out_shape=jax.ShapeDtypeStruct((_N,), _f32),
    )(scores)

    top_sc, top_idx = jax.lax.top_k(sc, _PRE_K)
    idx_pad = jnp.pad(top_idx, (0, _PAD_K - _PRE_K)).astype(jnp.int32)
    table = jnp.pad(jnp.concatenate([boxes, deltas], axis=1),
                    ((0, 0), (0, 8)))
    cg = _sc_gather(table, idx_pad)
    sc_col = jnp.pad(top_sc, (0, _PAD_K - _PRE_K),
                     constant_values=-2.0).reshape(_PAD_K, 1)

    return pl.pallas_call(
        _nms_body,
        out_shape=jax.ShapeDtypeStruct((_POST_K, 5), _f32),
        scratch_shapes=[pltpu.VMEM((_PAD_K, _PAD_K), jnp.bfloat16),
                        pltpu.VMEM((_PAD_K, _PAD_K), jnp.bfloat16)],
    )(sc_col, cg, cg.T)

# --- scband reference (transcript-rebuilt; emitter-appended) ---
"""Pipeline reference for scband-anchor-head-87746181857517 (READ-ONLY COPY).

The authoritative reference and input builder live on the scoring server;
editing this copy changes nothing except your own understanding.
"""

import jax, jax.numpy as jnp
import numpy as np

NUM_CLASSES = 81
CLS_CHANNELS = 80
N_BOXES = 20000
PRE_NMS_K = 1000
POST_NMS_K = 100
IOU_THR = 0.5
IMG_SIZE = 512.0
TARGET_MEANS = jnp.array([0.0, 0.0, 0.0, 0.0], dtype=jnp.float32)
TARGET_STDS = jnp.array([1.0, 1.0, 1.0, 1.0], dtype=jnp.float32)


def _make_anchors(key, n):
    k1, k2 = jax.random.split(key)
    xy = jax.random.uniform(k1, (n, 2), dtype=jnp.float32) * IMG_SIZE
    wh = jax.random.uniform(k2, (n, 2), dtype=jnp.float32) * 120.0 + 8.0
    return jnp.concatenate([xy - wh * 0.5, xy + wh * 0.5], axis=1)


def setup_inputs(seed: int = 0) -> dict:
    key = jax.random.key(seed)
    k1, k2, k3 = jax.random.split(key, 3)
    boxes = _make_anchors(k1, N_BOXES)
    deltas = jax.random.normal(k2, (N_BOXES, 4), dtype=jnp.float32) * 0.1
    scores = jax.random.normal(k3, (N_BOXES, CLS_CHANNELS), dtype=jnp.float32)
    return {"boxes": boxes, "deltas": deltas, "scores": scores}


def reference(boxes, deltas, scores):
    # decode reg deltas against anchors (delta2bbox with target_means/target_stds)
    d = deltas * TARGET_STDS[None, :] + TARGET_MEANS[None, :]
    px = (boxes[:, 0] + boxes[:, 2]) * 0.5
    py = (boxes[:, 1] + boxes[:, 3]) * 0.5
    pw = boxes[:, 2] - boxes[:, 0]
    ph = boxes[:, 3] - boxes[:, 1]
    dw = jnp.clip(d[:, 2], -4.0, 4.0)
    dh = jnp.clip(d[:, 3], -4.0, 4.0)
    gx = px + pw * d[:, 0]
    gy = py + ph * d[:, 1]
    gw = pw * jnp.exp(dw)
    gh = ph * jnp.exp(dh)
    dec = jnp.stack([gx - gw * 0.5, gy - gh * 0.5, gx + gw * 0.5, gy + gh * 0.5], axis=1)
    dec = jnp.clip(dec, 0.0, IMG_SIZE)
    # sigmoid classification (use_sigmoid path, cls_channels = num_classes - 1)
    cls = jax.nn.sigmoid(scores)
    sc = jnp.max(cls, axis=1)
    # pre-NMS top-k
    top_sc, top_idx = jax.lax.top_k(sc, PRE_NMS_K)
    cand = dec[top_idx]
    # pairwise IoU of candidates (sorted descending by score)
    lt = jnp.maximum(cand[:, None, :2], cand[None, :, :2])
    rb = jnp.minimum(cand[:, None, 2:], cand[None, :, 2:])
    wh = jnp.clip(rb - lt, 0.0, None)
    inter = wh[..., 0] * wh[..., 1]
    area = (cand[:, 2] - cand[:, 0]) * (cand[:, 3] - cand[:, 1])
    iou = inter / (area[:, None] + area[None, :] - inter + 1e-6)
    iou_c = jax.lax.stop_gradient(iou)
    idxs = jnp.arange(PRE_NMS_K)
    def body(i, supp):
        mask = (iou_c[i] > IOU_THR) & (idxs > i)
        return jnp.where(supp[i], supp, supp | mask)
    supp = jax.lax.fori_loop(0, PRE_NMS_K, body, jnp.zeros((PRE_NMS_K,), dtype=bool))
    keep_sc = jnp.where(supp, -1.0, top_sc)
    fin_sc, fin_idx = jax.lax.top_k(keep_sc, POST_NMS_K)
    fin_boxes = cand[fin_idx]
    return jnp.concatenate([fin_boxes, fin_sc[:, None]], axis=1)

if __name__ == "__main__":
    import jax
    _d = setup_inputs()
    print(jax.jit(kernel)(*tuple(_d.values())))

</pallas_src>

<mosaic_0001>
#map = affine_map<(d0, d1) -> (0, 0)>
#map1 = affine_map<(d0, d1) -> (0)>
module attributes {stable_mosaic.version = 14 : i64} {
  func.func @_gather_body(%arg0: i32, %arg1: i32, %arg2: memref<20000x16xf32, #tpu.memory_space<hbm>>, %arg3: memref<1024xi32, #tpu.memory_space<hbm>>, %arg4: memref<1024x16xf32, #tpu.memory_space<hbm>>, %arg5: memref<32xi32, #tpu.memory_space<vmem>>, %arg6: memref<32x16xf32, #tpu.memory_space<vmem>>, %arg7: memref<!tpu.dma_semaphore, #tpu.memory_space<semaphore_mem>>) attributes {dimension_semantics = [#tpu.dimension_semantics<core_parallel>, #tpu.dimension_semantics<subcore_parallel>], iteration_bounds = array<i64: 2, 16>, scalar_prefetch = 0 : i64, scratch_operands = 3 : i64, tpu.core_type = #tpu.core_type<sc_vector_subcore>, window_params = [{transform_indices = #map}, {transform_indices = #map1}, {transform_indices = #map}]} {
    %mul3A = arith.constant 2 : i32
    %mul3A_0 = arith.muli %arg1, %mul3A : i32
    %add3A = arith.addi %mul3A_0, %arg0 : i32
    %mul3A_1 = arith.constant 32 : i32
    %mul3A_2 = arith.muli %add3A, %mul3A_1 : i32
    "tpu.region"() ({
      %run_scoped3A = tpu.sem_alloc : memref<!tpu.dma_semaphore, #tpu.memory_space<semaphore_mem>>
      %dma_start3A_7 = tpu.memref_slice %arg3[%mul3A_2] : memref<1024xi32, #tpu.memory_space<hbm>> -> memref<32xi32, #tpu.memory_space<hbm>>
      %dma_start3A_8 = tpu.memref_slice %arg3[%mul3A_2] : memref<1024xi32, #tpu.memory_space<hbm>> -> memref<32xi32, #tpu.memory_space<hbm>>
      tpu.enqueue_dma source(%dma_start3A_8 : memref<32xi32, #tpu.memory_space<hbm>>) target(%arg5 : memref<32xi32, #tpu.memory_space<vmem>>) target_semaphore(%run_scoped3A : memref<!tpu.dma_semaphore, #tpu.memory_space<semaphore_mem>>)
      %dma_wait3A_9 = tpu.memref_slice %arg3[%mul3A_2] : memref<1024xi32, #tpu.memory_space<hbm>> -> memref<32xi32, #tpu.memory_space<hbm>>
      %dma_wait3A_10 = tpu.memref_slice %arg3[%mul3A_2] : memref<1024xi32, #tpu.memory_space<hbm>> -> memref<32xi32, #tpu.memory_space<hbm>>
      tpu.wait_dma2 semaphore(%run_scoped3A : memref<!tpu.dma_semaphore, #tpu.memory_space<semaphore_mem>>) src(%dma_wait3A_10 : memref<32xi32, #tpu.memory_space<hbm>>) dst(%arg5 : memref<32xi32, #tpu.memory_space<vmem>>)
      tpu.yield
    }) : () -> ()
    %dma_start3A = arith.constant 0 : i32
    %dma_start3A_3 = arith.constant 0 : i32
    %dma_start3A_4 = tpu.memref_slice %arg2[%dma_start3A, %dma_start3A_3] : memref<20000x16xf32, #tpu.memory_space<hbm>> -> memref<20000x16xf32, #tpu.memory_space<hbm>>
    tpu.enqueue_indirect_dma source(%dma_start3A_4 : memref<20000x16xf32, #tpu.memory_space<hbm>>) target(%arg6 : memref<32x16xf32, #tpu.memory_space<vmem>>) offsets(%arg5 : memref<32xi32, #tpu.memory_space<vmem>>) semaphore(%arg7 : memref<!tpu.dma_semaphore, #tpu.memory_space<semaphore_mem>>)
    %dma_wait3A = arith.constant 0 : i32
    %dma_wait3A_5 = arith.constant 0 : i32
    %dma_wait3A_6 = tpu.memref_slice %arg2[%dma_wait3A, %dma_wait3A_5] : memref<20000x16xf32, #tpu.memory_space<hbm>> -> memref<20000x16xf32, #tpu.memory_space<hbm>>
    tpu.wait_indirect_dma semaphore(%arg7 : memref<!tpu.dma_semaphore, #tpu.memory_space<semaphore_mem>>) src(%dma_wait3A_6 : memref<20000x16xf32, #tpu.memory_space<hbm>>) dst(%arg6 : memref<32x16xf32, #tpu.memory_space<vmem>>)
    "tpu.region"() ({
      %run_scoped3A = tpu.sem_alloc : memref<!tpu.dma_semaphore, #tpu.memory_space<semaphore_mem>>
      %dma_start3A_7 = arith.constant 0 : i32
      %dma_start3A_8 = tpu.memref_slice %arg4[%mul3A_2, %dma_start3A_7] : memref<1024x16xf32, #tpu.memory_space<hbm>> -> memref<32x16xf32, #tpu.memory_space<hbm>>
      %dma_start3A_9 = arith.constant 0 : i32
      %dma_start3A_10 = tpu.memref_slice %arg4[%mul3A_2, %dma_start3A_9] : memref<1024x16xf32, #tpu.memory_space<hbm>> -> memref<32x16xf32, #tpu.memory_space<hbm>>
      tpu.enqueue_dma source(%arg6 : memref<32x16xf32, #tpu.memory_space<vmem>>) target(%dma_start3A_10 : memref<32x16xf32, #tpu.memory_space<hbm>>) target_semaphore(%run_scoped3A : memref<!tpu.dma_semaphore, #tpu.memory_space<semaphore_mem>>)
      %dma_wait3A_11 = arith.constant 0 : i32
      %dma_wait3A_12 = tpu.memref_slice %arg4[%mul3A_2, %dma_wait3A_11] : memref<1024x16xf32, #tpu.memory_space<hbm>> -> memref<32x16xf32, #tpu.memory_space<hbm>>
      %dma_wait3A_13 = arith.constant 0 : i32
      %dma_wait3A_14 = tpu.memref_slice %arg4[%mul3A_2, %dma_wait3A_13] : memref<1024x16xf32, #tpu.memory_space<hbm>> -> memref<32x16xf32, #tpu.memory_space<hbm>>
      tpu.wait_dma2 semaphore(%run_scoped3A : memref<!tpu.dma_semaphore, #tpu.memory_space<semaphore_mem>>) src(%arg6 : memref<32x16xf32, #tpu.memory_space<vmem>>) dst(%dma_wait3A_14 : memref<32x16xf32, #tpu.memory_space<hbm>>)
      tpu.yield
    }) : () -> ()
    return
  }
}

module attributes {stable_mosaic.version = 14 : i64} {
  func.func @_score_body(%arg0: memref<20000x80xf32, #tpu.memory_space<vmem>>, %arg1: memref<20000xf32, #tpu.memory_space<vmem>>) attributes {dimension_semantics = [], scalar_prefetch = 0 : i64, scratch_operands = 0 : i64, tpu.core_type = #tpu.core_type<tc>} {
    %get3A = arith.constant 0 : index
    %get3A_0 = arith.constant 0 : index
    %get3A_1 = vector.load %arg0[%get3A, %get3A_0] : memref<20000x80xf32, #tpu.memory_space<vmem>>, vector<20000x80xf32>
    %logistic3A = arith.negf %get3A_1 : vector<20000x80xf32>
    %logistic3A_2 = math.exp %logistic3A : vector<20000x80xf32>
    %logistic3A_3 = arith.constant 1.000000e+00 : f32
    %logistic3A_4 = vector.broadcast %logistic3A_3 : f32 to vector<20000x80xf32>
    %logistic3A_5 = arith.addf %logistic3A_4, %logistic3A_2 : vector<20000x80xf32>
    %logistic3A_6 = arith.divf %logistic3A_4, %logistic3A_5 : vector<20000x80xf32>
    %reduce_max3A = arith.constant dense<0xFF800000> : vector<20000xf32>
    %reduce_max3A_7 = vector.multi_reduction <maximumf>, %logistic3A_6, %reduce_max3A [1] : vector<20000x80xf32> to vector<20000xf32>
    %swap3A = arith.constant 0 : index
    %swap3A_8 = vector.load %arg1[%swap3A] : memref<20000xf32, #tpu.memory_space<vmem>>, vector<20000xf32>
    tpu.vector_store %arg1[%swap3A], %reduce_max3A_7 {strides = array<i32>} : memref<20000xf32, #tpu.memory_space<vmem>>, vector<20000xf32>,
    return
  }
}

module attributes {stable_mosaic.version = 14 : i64} {
  func.func @_nms_body(%arg0: memref<1024x1xf32, #tpu.memory_space<vmem>>, %arg1: memref<1024x16xf32, #tpu.memory_space<vmem>>, %arg2: memref<16x1024xf32, #tpu.memory_space<vmem>>, %arg3: memref<100x5xf32, #tpu.memory_space<vmem>>, %arg4: memref<1024x1024xbf16, #tpu.memory_space<vmem>>, %arg5: memref<1024x1024xbf16, #tpu.memory_space<vmem>>) attributes {dimension_semantics = [], scalar_prefetch = 0 : i64, scratch_operands = 2 : i64, tpu.core_type = #tpu.core_type<tc>} {
    %get3A = arith.constant 0 : index
    %get3A_0 = arith.constant 0 : index
    %get3A_1 = vector.load %arg1[%get3A, %get3A_0] : memref<1024x16xf32, #tpu.memory_space<vmem>>, vector<1024x1xf32>
    %get3A_2 = arith.constant 0 : index
    %get3A_3 = arith.constant 1 : index
    %get3A_4 = vector.load %arg1[%get3A_2, %get3A_3] : memref<1024x16xf32, #tpu.memory_space<vmem>>, vector<1024x1xf32>
    %get3A_5 = arith.constant 0 : index
    %get3A_6 = arith.constant 2 : index
    %get3A_7 = vector.load %arg1[%get3A_5, %get3A_6] : memref<1024x16xf32, #tpu.memory_space<vmem>>, vector<1024x1xf32>
    %get3A_8 = arith.constant 0 : index
    %get3A_9 = arith.constant 3 : index
    %get3A_10 = vector.load %arg1[%get3A_8, %get3A_9] : memref<1024x16xf32, #tpu.memory_space<vmem>>, vector<1024x1xf32>
    %get3A_11 = arith.constant 0 : index
    %get3A_12 = arith.constant 4 : index
    %get3A_13 = vector.load %arg1[%get3A_11, %get3A_12] : memref<1024x16xf32, #tpu.memory_space<vmem>>, vector<1024x1xf32>
    %get3A_14 = arith.constant 0 : index
    %get3A_15 = arith.constant 5 : index
    %get3A_16 = vector.load %arg1[%get3A_14, %get3A_15] : memref<1024x16xf32, #tpu.memory_space<vmem>>, vector<1024x1xf32>
    %get3A_17 = arith.constant 0 : index
    %get3A_18 = arith.constant 6 : index
    %get3A_19 = vector.load %arg1[%get3A_17, %get3A_18] : memref<1024x16xf32, #tpu.memory_space<vmem>>, vector<1024x1xf32>
    %get3A_20 = arith.constant 0 : index
    %get3A_21 = arith.constant 7 : index
    %get3A_22 = vector.load %arg1[%get3A_20, %get3A_21] : memref<1024x16xf32, #tpu.memory_space<vmem>>, vector<1024x1xf32>
    %add3A = arith.addf %get3A_1, %get3A_7 : vector<1024x1xf32>
    %mul3A = arith.constant 5.000000e-01 : f32
    %mul3A_23 = vector.broadcast %mul3A : f32 to vector<1024x1xf32>
    %mul3A_24 = arith.mulf %add3A, %mul3A_23 : vector<1024x1xf32>
    %add3A_25 = arith.addf %get3A_4, %get3A_10 : vector<1024x1xf32>
    %mul3A_26 = arith.constant 5.000000e-01 : f32
    %mul3A_27 = vector.broadcast %mul3A_26 : f32 to vector<1024x1xf32>
    %mul3A_28 = arith.mulf %add3A_25, %mul3A_27 : vector<1024x1xf32>
    %sub3A = arith.subf %get3A_7, %get3A_1 : vector<1024x1xf32>
    %sub3A_29 = arith.subf %get3A_10, %get3A_4 : vector<1024x1xf32>
    %jit3A = arith.constant -4.000000e+00 : f32
    %jit3A_30 = arith.constant 4.000000e+00 : f32
    %max3A = vector.broadcast %jit3A : f32 to vector<1024x1xf32>
    %max3A_31 = arith.maximumf %max3A, %get3A_19 : vector<1024x1xf32>
    %min3A = vector.broadcast %jit3A_30 : f32 to vector<1024x1xf32>
    %min3A_32 = arith.minimumf %min3A, %max3A_31 : vector<1024x1xf32>
    %jit3A_33 = arith.constant -4.000000e+00 : f32
    %jit3A_34 = arith.constant 4.000000e+00 : f32
    %max3A_35 = vector.broadcast %jit3A_33 : f32 to vector<1024x1xf32>
    %max3A_36 = arith.maximumf %max3A_35, %get3A_22 : vector<1024x1xf32>
    %min3A_37 = vector.broadcast %jit3A_34 : f32 to vector<1024x1xf32>
    %min3A_38 = arith.minimumf %min3A_37, %max3A_36 : vector<1024x1xf32>
    %mul3A_39 = arith.mulf %sub3A, %get3A_13 : vector<1024x1xf32>
    %add3A_40 = arith.addf %mul3A_24, %mul3A_39 : vector<1024x1xf32>
    %mul3A_41 = arith.mulf %sub3A_29, %get3A_16 : vector<1024x1xf32>
    %add3A_42 = arith.addf %mul3A_28, %mul3A_41 : vector<1024x1xf32>
    %exp3A = math.exp %min3A_32 : vector<1024x1xf32>
    %mul3A_43 = arith.mulf %sub3A, %exp3A : vector<1024x1xf32>
    %exp3A_44 = math.exp %min3A_38 : vector<1024x1xf32>
    %mul3A_45 = arith.mulf %sub3A_29, %exp3A_44 : vector<1024x1xf32>
    %mul3A_46 = arith.constant 5.000000e-01 : f32
    %mul3A_47 = vector.broadcast %mul3A_46 : f32 to vector<1024x1xf32>
    %mul3A_48 = arith.mulf %mul3A_43, %mul3A_47 : vector<1024x1xf32>
    %sub3A_49 = arith.subf %add3A_40, %mul3A_48 : vector<1024x1xf32>
    %jit3A_50 = arith.constant 0.000000e+00 : f32
    %jit3A_51 = arith.constant 5.120000e+02 : f32
    %max3A_52 = vector.broadcast %jit3A_50 : f32 to vector<1024x1xf32>
    %max3A_53 = arith.maximumf %max3A_52, %sub3A_49 : vector<1024x1xf32>
    %min3A_54 = vector.broadcast %jit3A_51 : f32 to vector<1024x1xf32>
    %min3A_55 = arith.minimumf %min3A_54, %max3A_53 : vector<1024x1xf32>
    %mul3A_56 = arith.constant 5.000000e-01 : f32
    %mul3A_57 = vector.broadcast %mul3A_56 : f32 to vector<1024x1xf32>
    %mul3A_58 = arith.mulf %mul3A_45, %mul3A_57 : vector<1024x1xf32>
    %sub3A_59 = arith.subf %add3A_42, %mul3A_58 : vector<1024x1xf32>
    %jit3A_60 = arith.constant 0.000000e+00 : f32
    %jit3A_61 = arith.constant 5.120000e+02 : f32
    %max3A_62 = vector.broadcast %jit3A_60 : f32 to vector<1024x1xf32>
    %max3A_63 = arith.maximumf %max3A_62, %sub3A_59 : vector<1024x1xf32>
    %min3A_64 = vector.broadcast %jit3A_61 : f32 to vector<1024x1xf32>
    %min3A_65 = arith.minimumf %min3A_64, %max3A_63 : vector<1024x1xf32>
    %mul3A_66 = arith.constant 5.000000e-01 : f32
    %mul3A_67 = vector.broadcast %mul3A_66 : f32 to vector<1024x1xf32>
    %mul3A_68 = arith.mulf %mul3A_43, %mul3A_67 : vector<1024x1xf32>
    %add3A_69 = arith.addf %add3A_40, %mul3A_68 : vector<1024x1xf32>
    %jit3A_70 = arith.constant 0.000000e+00 : f32
    %jit3A_71 = arith.constant 5.120000e+02 : f32
    %max3A_72 = vector.broadcast %jit3A_70 : f32 to vector<1024x1xf32>
    %max3A_73 = arith.maximumf %max3A_72, %add3A_69 : vector<1024x1xf32>
    %min3A_74 = vector.broadcast %jit3A_71 : f32 to vector<1024x1xf32>
    %min3A_75 = arith.minimumf %min3A_74, %max3A_73 : vector<1024x1xf32>
    %mul3A_76 = arith.constant 5.000000e-01 : f32
    %mul3A_77 = vector.broadcast %mul3A_76 : f32 to vector<1024x1xf32>
    %mul3A_78 = arith.mulf %mul3A_45, %mul3A_77 : vector<1024x1xf32>
    %add3A_79 = arith.addf %add3A_42, %mul3A_78 : vector<1024x1xf32>
    %jit3A_80 = arith.constant 0.000000e+00 : f32
    %jit3A_81 = arith.constant 5.120000e+02 : f32
    %max3A_82 = vector.broadcast %jit3A_80 : f32 to vector<1024x1xf32>
    %max3A_83 = arith.maximumf %max3A_82, %add3A_79 : vector<1024x1xf32>
    %min3A_84 = vector.broadcast %jit3A_81 : f32 to vector<1024x1xf32>
    %min3A_85 = arith.minimumf %min3A_84, %max3A_83 : vector<1024x1xf32>
    %get3A_86 = arith.constant 0 : index
    %get3A_87 = arith.constant 0 : index
    %get3A_88 = vector.load %arg2[%get3A_86, %get3A_87] : memref<16x1024xf32, #tpu.memory_space<vmem>>, vector<1x1024xf32>
    %get3A_89 = arith.constant 1 : index
    %get3A_90 = arith.constant 0 : index
    %get3A_91 = vector.load %arg2[%get3A_89, %get3A_90] : memref<16x1024xf32, #tpu.memory_space<vmem>>, vector<1x1024xf32>
    %get3A_92 = arith.constant 2 : index
    %get3A_93 = arith.constant 0 : index
    %get3A_94 = vector.load %arg2[%get3A_92, %get3A_93] : memref<16x1024xf32, #tpu.memory_space<vmem>>, vector<1x1024xf32>
    %get3A_95 = arith.constant 3 : index
    %get3A_96 = arith.constant 0 : index
    %get3A_97 = vector.load %arg2[%get3A_95, %get3A_96] : memref<16x1024xf32, #tpu.memory_space<vmem>>, vector<1x1024xf32>
    %get3A_98 = arith.constant 4 : index
    %get3A_99 = arith.constant 0 : index
    %get3A_100 = vector.load %arg2[%get3A_98, %get3A_99] : memref<16x1024xf32, #tpu.memory_space<vmem>>, vector<1x1024xf32>
    %get3A_101 = arith.constant 5 : index
    %get3A_102 = arith.constant 0 : index
    %get3A_103 = vector.load %arg2[%get3A_101, %get3A_102] : memref<16x1024xf32, #tpu.memory_space<vmem>>, vector<1x1024xf32>
    %get3A_104 = arith.constant 6 : index
    %get3A_105 = arith.constant 0 : index
    %get3A_106 = vector.load %arg2[%get3A_104, %get3A_105] : memref<16x1024xf32, #tpu.memory_space<vmem>>, vector<1x1024xf32>
    %get3A_107 = arith.constant 7 : index
    %get3A_108 = arith.constant 0 : index
    %get3A_109 = vector.load %arg2[%get3A_107, %get3A_108] : memref<16x1024xf32, #tpu.memory_space<vmem>>, vector<1x1024xf32>
    %add3A_110 = arith.addf %get3A_88, %get3A_94 : vector<1x1024xf32>
    %mul3A_111 = arith.constant 5.000000e-01 : f32
    %mul3A_112 = vector.broadcast %mul3A_111 : f32 to vector<1x1024xf32>
    %mul3A_113 = arith.mulf %add3A_110, %mul3A_112 : vector<1x1024xf32>
    %add3A_114 = arith.addf %get3A_91, %get3A_97 : vector<1x1024xf32>
    %mul3A_115 = arith.constant 5.000000e-01 : f32
    %mul3A_116 = vector.broadcast %mul3A_115 : f32 to vector<1x1024xf32>
    %mul3A_117 = arith.mulf %add3A_114, %mul3A_116 : vector<1x1024xf32>
    %sub3A_118 = arith.subf %get3A_94, %get3A_88 : vector<1x1024xf32>
    %sub3A_119 = arith.subf %get3A_97, %get3A_91 : vector<1x1024xf32>
    %jit3A_120 = arith.constant -4.000000e+00 : f32
    %jit3A_121 = arith.constant 4.000000e+00 : f32
    %max3A_122 = vector.broadcast %jit3A_120 : f32 to vector<1x1024xf32>
    %max3A_123 = arith.maximumf %max3A_122, %get3A_106 : vector<1x1024xf32>
    %min3A_124 = vector.broadcast %jit3A_121 : f32 to vector<1x1024xf32>
    %min3A_125 = arith.minimumf %min3A_124, %max3A_123 : vector<1x1024xf32>
    %jit3A_126 = arith.constant -4.000000e+00 : f32
    %jit3A_127 = arith.constant 4.000000e+00 : f32
    %max3A_128 = vector.broadcast %jit3A_126 : f32 to vector<1x1024xf32>
    %max3A_129 = arith.maximumf %max3A_128, %get3A_109 : vector<1x1024xf32>
    %min3A_130 = vector.broadcast %jit3A_127 : f32 to vector<1x1024xf32>
    %min3A_131 = arith.minimumf %min3A_130, %max3A_129 : vector<1x1024xf32>
    %mul3A_132 = arith.mulf %sub3A_118, %get3A_100 : vector<1x1024xf32>
    %add3A_133 = arith.addf %mul3A_113, %mul3A_132 : vector<1x1024xf32>
    %mul3A_134 = arith.mulf %sub3A_119, %get3A_103 : vector<1x1024xf32>
    %add3A_135 = arith.addf %mul3A_117, %mul3A_134 : vector<1x1024xf32>
    %exp3A_136 = math.exp %min3A_125 : vector<1x1024xf32>
    %mul3A_137 = arith.mulf %sub3A_118, %exp3A_136 : vector<1x1024xf32>
    %exp3A_138 = math.exp %min3A_131 : vector<1x1024xf32>
    %mul3A_139 = arith.mulf %sub3A_119, %exp3A_138 : vector<1x1024xf32>
    %mul3A_140 = arith.constant 5.000000e-01 : f32
    %mul3A_141 = vector.broadcast %mul3A_140 : f32 to vector<1x1024xf32>
    %mul3A_142 = arith.mulf %mul3A_137, %mul3A_141 : vector<1x1024xf32>
    %sub3A_143 = arith.subf %add3A_133, %mul3A_142 : vector<1x1024xf32>
    %jit3A_144 = arith.constant 0.000000e+00 : f32
    %jit3A_145 = arith.constant 5.120000e+02 : f32
    %max3A_146 = vector.broadcast %jit3A_144 : f32 to vector<1x1024xf32>
    %max3A_147 = arith.maximumf %max3A_146, %sub3A_143 : vector<1x1024xf32>
    %min3A_148 = vector.broadcast %jit3A_145 : f32 to vector<1x1024xf32>
    %min3A_149 = arith.minimumf %min3A_148, %max3A_147 : vector<1x1024xf32>
    %mul3A_150 = arith.constant 5.000000e-01 : f32
    %mul3A_151 = vector.broadcast %mul3A_150 : f32 to vector<1x1024xf32>
    %mul3A_152 = arith.mulf %mul3A_139, %mul3A_151 : vector<1x1024xf32>
    %sub3A_153 = arith.subf %add3A_135, %mul3A_152 : vector<1x1024xf32>
    %jit3A_154 = arith.constant 0.000000e+00 : f32
    %jit3A_155 = arith.constant 5.120000e+02 : f32
    %max3A_156 = vector.broadcast %jit3A_154 : f32 to vector<1x1024xf32>
    %max3A_157 = arith.maximumf %max3A_156, %sub3A_153 : vector<1x1024xf32>
    %min3A_158 = vector.broadcast %jit3A_155 : f32 to vector<1x1024xf32>
    %min3A_159 = arith.minimumf %min3A_158, %max3A_157 : vector<1x1024xf32>
    %mul3A_160 = arith.constant 5.000000e-01 : f32
    %mul3A_161 = vector.broadcast %mul3A_160 : f32 to vector<1x1024xf32>
    %mul3A_162 = arith.mulf %mul3A_137, %mul3A_161 : vector<1x1024xf32>
    %add3A_163 = arith.addf %add3A_133, %mul3A_162 : vector<1x1024xf32>
    %jit3A_164 = arith.constant 0.000000e+00 : f32
    %jit3A_165 = arith.constant 5.120000e+02 : f32
    %max3A_166 = vector.broadcast %jit3A_164 : f32 to vector<1x1024xf32>
    %max3A_167 = arith.maximumf %max3A_166, %add3A_163 : vector<1x1024xf32>
    %min3A_168 = vector.broadcast %jit3A_165 : f32 to vector<1x1024xf32>
    %min3A_169 = arith.minimumf %min3A_168, %max3A_167 : vector<1x1024xf32>
    %mul3A_170 = arith.constant 5.000000e-01 : f32
    %mul3A_171 = vector.broadcast %mul3A_170 : f32 to vector<1x1024xf32>
    %mul3A_172 = arith.mulf %mul3A_139, %mul3A_171 : vector<1x1024xf32>
    %add3A_173 = arith.addf %add3A_135, %mul3A_172 : vector<1x1024xf32>
    %jit3A_174 = arith.constant 0.000000e+00 : f32
    %jit3A_175 = arith.constant 5.120000e+02 : f32
    %max3A_176 = vector.broadcast %jit3A_174 : f32 to vector<1x1024xf32>
    %max3A_177 = arith.maximumf %max3A_176, %add3A_173 : vector<1x1024xf32>
    %min3A_178 = vector.broadcast %jit3A_175 : f32 to vector<1x1024xf32>
    %min3A_179 = arith.minimumf %min3A_178, %max3A_177 : vector<1x1024xf32>
    %max3A_180 = vector.broadcast %min3A_55 : vector<1024x1xf32> to vector<1024x1024xf32>
    %max3A_181 = vector.broadcast %min3A_149 : vector<1x1024xf32> to vector<1024x1024xf32>
    %max3A_182 = arith.maximumf %max3A_180, %max3A_181 : vector<1024x1024xf32>
    %max3A_183 = vector.broadcast %min3A_65 : vector<1024x1xf32> to vector<1024x1024xf32>
    %max3A_184 = vector.broadcast %min3A_159 : vector<1x1024xf32> to vector<1024x1024xf32>
    %max3A_185 = arith.maximumf %max3A_183, %max3A_184 : vector<1024x1024xf32>
    %min3A_186 = vector.broadcast %min3A_75 : vector<1024x1xf32> to vector<1024x1024xf32>
    %min3A_187 = vector.broadcast %min3A_169 : vector<1x1024xf32> to vector<1024x1024xf32>
    %min3A_188 = arith.minimumf %min3A_186, %min3A_187 : vector<1024x1024xf32>
    %min3A_189 = vector.broadcast %min3A_85 : vector<1024x1xf32> to vector<1024x1024xf32>
    %min3A_190 = vector.broadcast %min3A_179 : vector<1x1024xf32> to vector<1024x1024xf32>
    %min3A_191 = arith.minimumf %min3A_189, %min3A_190 : vector<1024x1024xf32>
    %sub3A_192 = arith.subf %min3A_188, %max3A_182 : vector<1024x1024xf32>
    %jit3A_193 = arith.constant 0.000000e+00 : f32
    %max3A_194 = vector.broadcast %jit3A_193 : f32 to vector<1024x1024xf32>
    %max3A_195 = arith.maximumf %max3A_194, %sub3A_192 : vector<1024x1024xf32>
    %sub3A_196 = arith.subf %min3A_191, %max3A_185 : vector<1024x1024xf32>
    %jit3A_197 = arith.constant 0.000000e+00 : f32
    %max3A_198 = vector.broadcast %jit3A_197 : f32 to vector<1024x1024xf32>
    %max3A_199 = arith.maximumf %max3A_198, %sub3A_196 : vector<1024x1024xf32>
    %mul3A_200 = arith.mulf %max3A_195, %max3A_199 : vector<1024x1024xf32>
    %sub3A_201 = arith.subf %min3A_75, %min3A_55 : vector<1024x1xf32>
    %sub3A_202 = arith.subf %min3A_85, %min3A_65 : vector<1024x1xf32>
    %mul3A_203 = arith.mulf %sub3A_201, %sub3A_202 : vector<1024x1xf32>
    %sub3A_204 = arith.subf %min3A_169, %min3A_149 : vector<1x1024xf32>
    %sub3A_205 = arith.subf %min3A_179, %min3A_159 : vector<1x1024xf32>
    %mul3A_206 = arith.mulf %sub3A_204, %sub3A_205 : vector<1x1024xf32>
    %add3A_207 = vector.broadcast %mul3A_203 : vector<1024x1xf32> to vector<1024x1024xf32>
    %add3A_208 = vector.broadcast %mul3A_206 : vector<1x1024xf32> to vector<1024x1024xf32>
    %add3A_209 = arith.addf %add3A_207, %add3A_208 : vector<1024x1024xf32>
    %sub3A_210 = arith.subf %add3A_209, %mul3A_200 : vector<1024x1024xf32>
    %add3A_211 = arith.constant 9.99999997E-7 : f32
    %add3A_212 = vector.broadcast %add3A_211 : f32 to vector<1024x1024xf32>
    %add3A_213 = arith.addf %sub3A_210, %add3A_212 : vector<1024x1024xf32>
    %iota3A = tpu.iota {dimensions = array<i32: 0>} : vector<1024x1024xi32>
    %iota3A_214 = tpu.iota {dimensions = array<i32: 1>} : vector<1024x1024xi32>
    %lt3A = arith.cmpi slt, %iota3A, %iota3A_214 : vector<1024x1024xi32>
    %mul3A_215 = arith.constant 5.000000e-01 : f32
    %mul3A_216 = vector.broadcast %mul3A_215 : f32 to vector<1024x1024xf32>
    %mul3A_217 = arith.mulf %mul3A_216, %add3A_213 : vector<1024x1024xf32>
    %gt3A = arith.cmpf ogt, %mul3A_200, %mul3A_217 : vector<1024x1024xf32>
    %and3A = arith.andi %gt3A, %lt3A : vector<1024x1024xi1>
    %lt3A_218 = arith.constant 1000 : i32
    %lt3A_219 = vector.broadcast %lt3A_218 : i32 to vector<1024x1024xi32>
    %lt3A_220 = arith.cmpi slt, %iota3A, %lt3A_219 : vector<1024x1024xi32>
    %and3A_221 = arith.andi %and3A, %lt3A_220 : vector<1024x1024xi1>
    %jit3A_222 = arith.constant 1.000000e+00 : f32
    %jit3A_223 = arith.constant 0.000000e+00 : f32
    %broadcast_in_dim3A = vector.broadcast %jit3A_222 : f32 to vector<1024x1024xf32>
    %broadcast_in_dim3A_224 = vector.broadcast %jit3A_223 : f32 to vector<1024x1024xf32>
    %select_n3A = arith.select %and3A_221, %broadcast_in_dim3A, %broadcast_in_dim3A_224 : vector<1024x1024xi1>, vector<1024x1024xf32>
    %convert_element_type3A = arith.truncf %select_n3A : vector<1024x1024xf32> to vector<1024x1024xbf16>
    %swap3A = arith.constant 0 : index
    %swap3A_225 = arith.constant 0 : index
    %swap3A_226 = vector.load %arg4[%swap3A, %swap3A_225] : memref<1024x1024xbf16, #tpu.memory_space<vmem>>, vector<1024x1024xbf16>
    tpu.vector_store %arg4[%swap3A, %swap3A_225], %convert_element_type3A {strides = array<i32>} : memref<1024x1024xbf16, #tpu.memory_space<vmem>>, vector<1024x1024xbf16>,
    %jit3A_227 = arith.constant 1.000000e+00 : f32
    %jit3A_228 = arith.constant 0.000000e+00 : f32
    %broadcast_in_dim3A_229 = vector.broadcast %jit3A_227 : f32 to vector<1024x1024xf32>
    %broadcast_in_dim3A_230 = vector.broadcast %jit3A_228 : f32 to vector<1024x1024xf32>
    %select_n3A_231 = arith.select %lt3A, %broadcast_in_dim3A_229, %broadcast_in_dim3A_230 : vector<1024x1024xi1>, vector<1024x1024xf32>
    %convert_element_type3A_232 = arith.truncf %select_n3A_231 : vector<1024x1024xf32> to vector<1024x1024xbf16>
    %swap3A_233 = arith.constant 0 : index
    %swap3A_234 = arith.constant 0 : index
    %swap3A_235 = vector.load %arg5[%swap3A_233, %swap3A_234] : memref<1024x1024xbf16, #tpu.memory_space<vmem>>, vector<1024x1024xbf16>
    tpu.vector_store %arg5[%swap3A_233, %swap3A_234], %convert_element_type3A_232 {strides = array<i32>} : memref<1024x1024xbf16, #tpu.memory_space<vmem>>, vector<1024x1024xbf16>,
    %iota3A_236 = tpu.iota {dimensions = array<i32: 1>} : vector<1x1024xi32>
    %broadcast_in_dim3A_237 = arith.constant 1.000000e+00 : f32
    %broadcast_in_dim3A_238 = vector.broadcast %broadcast_in_dim3A_237 : f32 to vector<1x1024xf32>
    %while3A = arith.constant true
    %while3A_239:2 = scf.while (%while3A_318 = %broadcast_in_dim3A_238, %while3A_319 = %while3A) : (vector<1x1024xf32>, i1) -> (vector<1x1024xf32>, i1) {
      scf.condition(%while3A_319) %while3A_318, %while3A_319 : vector<1x1024xf32>, i1
    } do {
    ^bb0(%while3A_318: vector<1x1024xf32>, %while3A_319: i1):
      %convert_element_type3A_320 = arith.truncf %while3A_318 : vector<1x1024xf32> to vector<1x1024xbf16>
      %get3A_321 = arith.constant 0 : index
      %get3A_322 = arith.constant 0 : index
      %get3A_323 = vector.load %arg4[%get3A_321, %get3A_322] : memref<1024x1024xbf16, #tpu.memory_space<vmem>>, vector<1024x1024xbf16>
      %dot_general3A_324 = arith.constant dense<0.000000e+00> : vector<1x1024xf32>
      %dot_general3A_325 = tpu.matmul %convert_element_type3A_320, %get3A_323, %dot_general3A_324 {dimension_numbers = #tpu.dot_dimension_numbers<[1], [0], [0], [1], [0, 0, 1, 1], [], []>, transpose_lhs_hint = false} : vector<1x1024xbf16>, vector<1024x1024xbf16>, vector<1x1024xf32> -> vector<1x1024xf32>
      %ge3A_326 = arith.constant 5.000000e-01 : f32
      %ge3A_327 = vector.broadcast %ge3A_326 : f32 to vector<1x1024xf32>
      %ge3A_328 = arith.cmpf oge, %dot_general3A_325, %ge3A_327 : vector<1x1024xf32>
      %jit3A_329 = arith.constant 0.000000e+00 : f32
      %jit3A_330 = arith.constant 1.000000e+00 : f32
      %broadcast_in_dim3A_331 = vector.broadcast %jit3A_329 : f32 to vector<1x1024xf32>
      %broadcast_in_dim3A_332 = vector.broadcast %jit3A_330 : f32 to vector<1x1024xf32>
      %select_n3A_333 = arith.select %ge3A_328, %broadcast_in_dim3A_331, %broadcast_in_dim3A_332 : vector<1x1024xi1>, vector<1x1024xf32>
      %sub3A_334 = arith.subf %select_n3A_333, %while3A_318 : vector<1x1024xf32>
      %abs3A = math.absf %sub3A_334 : vector<1x1024xf32>
      %reduce_sum3A_335 = vector.shape_cast %abs3A : vector<1x1024xf32> to vector<1x1x1024xf32>
      %reduce_sum3A_336 = arith.constant dense<0.000000e+00> : vector<1xf32>
      %reduce_sum3A_337 = vector.multi_reduction <add>, %reduce_sum3A_335, %reduce_sum3A_336 [1, 2] : vector<1x1x1024xf32> to vector<1xf32>
      %reduce_sum3A_338 = vector.shape_cast %reduce_sum3A_337 : vector<1xf32> to vector<1x1x1xf32>
      %reduce_sum3A_339 = vector.extract %reduce_sum3A_338[0, 0, 0] : f32 from vector<1x1x1xf32>
      %gt3A_340 = arith.constant 0.000000e+00 : f32
      %gt3A_341 = arith.cmpf ogt, %reduce_sum3A_339, %gt3A_340 : f32
      scf.yield %select_n3A_333, %gt3A_341 : vector<1x1024xf32>, i1
    }
    %ge3A = arith.constant 1000 : i32
    %ge3A_240 = vector.broadcast %ge3A : i32 to vector<1x1024xi32>
    %ge3A_241 = arith.cmpi sge, %iota3A_236, %ge3A_240 : vector<1x1024xi32>
    %gt3A_242 = arith.constant 5.000000e-01 : f32
    %gt3A_243 = vector.broadcast %gt3A_242 : f32 to vector<1x1024xf32>
    %gt3A_244 = arith.cmpf ogt, %while3A_239#0, %gt3A_243 : vector<1x1024xf32>
    %not3A = arith.constant dense<true> : vector<1x1024xi1>
    %not3A_245 = arith.xori %ge3A_241, %not3A : vector<1x1024xi1>
    %and3A_246 = arith.andi %gt3A_244, %not3A_245 : vector<1x1024xi1>
    %jit3A_247 = arith.constant 1.000000e+00 : f32
    %jit3A_248 = arith.constant 0.000000e+00 : f32
    %broadcast_in_dim3A_249 = vector.broadcast %jit3A_247 : f32 to vector<1x1024xf32>
    %broadcast_in_dim3A_250 = vector.broadcast %jit3A_248 : f32 to vector<1x1024xf32>
    %select_n3A_251 = arith.select %and3A_246, %broadcast_in_dim3A_249, %broadcast_in_dim3A_250 : vector<1x1024xi1>, vector<1x1024xf32>
    %lt3A_252 = arith.constant 5.000000e-01 : f32
    %lt3A_253 = vector.broadcast %lt3A_252 : f32 to vector<1x1024xf32>
    %lt3A_254 = arith.cmpf olt, %while3A_239#0, %lt3A_253 : vector<1x1024xf32>
    %not3A_255 = arith.constant dense<true> : vector<1x1024xi1>
    %not3A_256 = arith.xori %ge3A_241, %not3A_255 : vector<1x1024xi1>
    %and3A_257 = arith.andi %lt3A_254, %not3A_256 : vector<1x1024xi1>
    %jit3A_258 = arith.constant 1.000000e+00 : f32
    %jit3A_259 = arith.constant 0.000000e+00 : f32
    %broadcast_in_dim3A_260 = vector.broadcast %jit3A_258 : f32 to vector<1x1024xf32>
    %broadcast_in_dim3A_261 = vector.broadcast %jit3A_259 : f32 to vector<1x1024xf32>
    %select_n3A_262 = arith.select %and3A_257, %broadcast_in_dim3A_260, %broadcast_in_dim3A_261 : vector<1x1024xi1>, vector<1x1024xf32>
    %concatenate3A = tpu.concatenate %select_n3A_251, %select_n3A_262 in 0 : vector<1x1024xf32>, vector<1x1024xf32> -> vector<2x1024xf32>
    %convert_element_type3A_263 = arith.truncf %concatenate3A : vector<2x1024xf32> to vector<2x1024xbf16>
    %get3A_264 = arith.constant 0 : index
    %get3A_265 = arith.constant 0 : index
    %get3A_266 = vector.load %arg5[%get3A_264, %get3A_265] : memref<1024x1024xbf16, #tpu.memory_space<vmem>>, vector<1024x1024xbf16>
    %dot_general3A = arith.constant dense<0.000000e+00> : vector<2x1024xf32>
    %dot_general3A_267 = tpu.matmul %convert_element_type3A_263, %get3A_266, %dot_general3A {dimension_numbers = #tpu.dot_dimension_numbers<[1], [0], [0], [1], [0, 0, 1, 1], [], []>, transpose_lhs_hint = false} : vector<2x1024xbf16>, vector<1024x1024xbf16>, vector<2x1024xf32> -> vector<2x1024xf32>
    %slice3A = vector.extract_strided_slice %dot_general3A_267 {offsets = [0, 0], sizes = [1, 1024], strides = [1, 1]} : vector<2x1024xf32> to vector<1x1024xf32>
    %slice3A_268 = vector.extract_strided_slice %dot_general3A_267 {offsets = [1, 0], sizes = [1, 1024], strides = [1, 1]} : vector<2x1024xf32> to vector<1x1024xf32>
    %reduce_sum3A = vector.shape_cast %select_n3A_251 : vector<1x1024xf32> to vector<1x1x1024xf32>
    %reduce_sum3A_269 = arith.constant dense<0.000000e+00> : vector<1xf32>
    %reduce_sum3A_270 = vector.multi_reduction <add>, %reduce_sum3A, %reduce_sum3A_269 [1, 2] : vector<1x1x1024xf32> to vector<1xf32>
    %reduce_sum3A_271 = vector.shape_cast %reduce_sum3A_270 : vector<1xf32> to vector<1x1x1xf32>
    %reduce_sum3A_272 = vector.extract %reduce_sum3A_271[0, 0, 0] : f32 from vector<1x1x1xf32>
    %lt3A_273 = arith.constant 5.000000e-01 : f32
    %lt3A_274 = vector.broadcast %lt3A_273 : f32 to vector<1x1024xf32>
    %lt3A_275 = arith.cmpf olt, %while3A_239#0, %lt3A_274 : vector<1x1024xf32>
    %add3A_276 = vector.broadcast %reduce_sum3A_272 : f32 to vector<1x1024xf32>
    %add3A_277 = arith.addf %add3A_276, %slice3A_268 : vector<1x1024xf32>
    %select_n3A_278 = arith.select %lt3A_275, %add3A_277, %slice3A : vector<1x1024xi1>, vector<1x1024xf32>
    %jit3A_279 = arith.constant 5.000000e+03 : f32
    %broadcast_in_dim3A_280 = vector.broadcast %jit3A_279 : f32 to vector<1x1024xf32>
    %select_n3A_281 = arith.select %ge3A_241, %broadcast_in_dim3A_280, %select_n3A_278 : vector<1x1024xi1>, vector<1x1024xf32>
    %iota3A_282 = tpu.iota {dimensions = array<i32: 0>} : vector<100x1024xi32>
    %convert_element_type3A_283 = arith.sitofp %iota3A_282 : vector<100x1024xi32> to vector<100x1024xf32>
    %eq3A = vector.broadcast %select_n3A_281 : vector<1x1024xf32> to vector<100x1024xf32>
    %eq3A_284 = arith.cmpf oeq, %convert_element_type3A_283, %eq3A : vector<100x1024xf32>
    %jit3A_285 = arith.constant 1.000000e+00 : f32
    %jit3A_286 = arith.constant 0.000000e+00 : f32
    %broadcast_in_dim3A_287 = vector.broadcast %jit3A_285 : f32 to vector<100x1024xf32>
    %broadcast_in_dim3A_288 = vector.broadcast %jit3A_286 : f32 to vector<100x1024xf32>
    %select_n3A_289 = arith.select %eq3A_284, %broadcast_in_dim3A_287, %broadcast_in_dim3A_288 : vector<100x1024xi1>, vector<100x1024xf32>
    %get3A_290 = arith.constant 0 : index
    %get3A_291 = arith.constant 0 : index
    %get3A_292 = vector.load %arg4[%get3A_290, %get3A_291] : memref<1024x1024xbf16, #tpu.memory_space<vmem>>, vector<1024x1024xbf16>
    %convert_element_type3A_293 = arith.truncf %while3A_239#0 : vector<1x1024xf32> to vector<1x1024xbf16>
    %dot_general3A_294 = arith.constant dense<0.000000e+00> : vector<1024x1xf32>
    %dot_general3A_295 = tpu.matmul %get3A_292, %convert_element_type3A_293, %dot_general3A_294 {dimension_numbers = #tpu.dot_dimension_numbers<[0], [1], [1], [0], [0, 1, 1, 0], [], []>, transpose_lhs_hint = false} : vector<1024x1024xbf16>, vector<1x1024xbf16>, vector<1024x1xf32> -> vector<1024x1xf32>
    %iota3A_296 = tpu.iota {dimensions = array<i32: 0>} : vector<1024x1xi32>
    %ge3A_297 = arith.constant 1000 : i32
    %ge3A_298 = vector.broadcast %ge3A_297 : i32 to vector<1024x1xi32>
    %ge3A_299 = arith.cmpi sge, %iota3A_296, %ge3A_298 : vector<1024x1xi32>
    %ge3A_300 = arith.constant 5.000000e-01 : f32
    %ge3A_301 = vector.broadcast %ge3A_300 : f32 to vector<1024x1xf32>
    %ge3A_302 = arith.cmpf oge, %dot_general3A_295, %ge3A_301 : vector<1024x1xf32>
    %get3A_303 = arith.constant 0 : index
    %get3A_304 = arith.constant 0 : index
    %get3A_305 = vector.load %arg0[%get3A_303, %get3A_304] : memref<1024x1xf32, #tpu.memory_space<vmem>>, vector<1024x1xf32>
    %jit3A_306 = arith.constant -1.000000e+00 : f32
    %broadcast_in_dim3A_307 = vector.broadcast %jit3A_306 : f32 to vector<1024x1xf32>
    %select_n3A_308 = arith.select %ge3A_302, %broadcast_in_dim3A_307, %get3A_305 : vector<1024x1xi1>, vector<1024x1xf32>
    %jit3A_309 = arith.constant -2.000000e+00 : f32
    %broadcast_in_dim3A_310 = vector.broadcast %jit3A_309 : f32 to vector<1024x1xf32>
    %select_n3A_311 = arith.select %ge3A_299, %broadcast_in_dim3A_310, %select_n3A_308 : vector<1024x1xi1>, vector<1024x1xf32>
    %concatenate3A_312 = tpu.concatenate %min3A_55, %min3A_65, %min3A_75, %min3A_85, %select_n3A_311 in 1 : vector<1024x1xf32>, vector<1024x1xf32>, vector<1024x1xf32>, vector<1024x1xf32>, vector<1024x1xf32> -> vector<1024x5xf32>
    %dot_general3A_313 = arith.constant dense<0.000000e+00> : vector<100x5xf32>
    %dot_general3A_314 = tpu.matmul %select_n3A_289, %concatenate3A_312, %dot_general3A_313 {dimension_numbers = #tpu.dot_dimension_numbers<[1], [0], [0], [1], [0, 0, 1, 1], [], []>, precision = #tpu.contract_precision<fp32>, transpose_lhs_hint = false} : vector<100x1024xf32>, vector<1024x5xf32>, vector<100x5xf32> -> vector<100x5xf32>
    %swap3A_315 = arith.constant 0 : index
    %swap3A_316 = arith.constant 0 : index
    %swap3A_317 = vector.load %arg3[%swap3A_315, %swap3A_316] : memref<100x5xf32, #tpu.memory_space<vmem>>, vector<100x5xf32>
    tpu.vector_store %arg3[%swap3A_315, %swap3A_316], %dot_general3A_314 {strides = array<i32>} : memref<100x5xf32, #tpu.memory_space<vmem>>, vector<100x5xf32>,
    return
  }
}

</mosaic_0001>

<sc_bundles>
// kernel: kernel.5.cloned.1.call-start
scs
__scs_entry_jumppad:
0x0: {  	(pc) =	sbr.rel $0x88, $3  }
0x1: {  	(tag) =	ssettag $0x0;
	lr =	simm.s32 $0x1  }
0x2: {  	[smem:$0x3F9E] =	sst lr;
	_ =	strace $0xD0000000  }
0x3: {  	_ = 	snop  }
0x4: {  	_ = 	snop  }
0x5: {  	_ = 	snop  }
0x6: {  	_ = 	snop  }
0x7: {  	_ = 	snop  }
__scs_overlays_trampoline_lowered:
0x8: {  	[smem:$0x3FAD] =	sst s0  }
0x9: {  	[smem:$0x3FAE] =	sst s1  }
0xa: {  	[smem:$0x3FAF] =	sst s2  }
0xb: {  	[smem:$0x3FB0] =	sst s3  }
0xc: {  	[smem:$0x3FB1] =	sst s4  }
0xd: {  	[smem:$0x3FB2] =	sst s5  }
0xe: {  	[smem:$0x3FB3] =	sst s6  }
0xf: {  	[smem:$0x3FB4] =	sst s7  }
0x10: {  	[smem:$0x3FB5] =	sst s8  }
0x11: {  	[smem:$0x3FB6] =	sst s9;
	s0 =	simm.s32 @!p0 $0x0  }
0x12: {  	s1 =	sld [smem:$0x3F9C];
	s0 =	simm.s32 @p0 $0x1  }
0x13: {  	[smem:$0x3FB7] =	sst s0;
	s0 =	simm.s32 @!p1 $0x0  }
0x14: {  	s2 =	sld [smem:$0x3F9B];
	s0 =	simm.s32 @p1 $0x1  }
0x15: {  	[smem:$0x3FB8] =	sst s0;
	s0 =	simm.s32 @!p2 $0x0  }
0x16: {  	s3 =	sld [smem:$0x3FDB];
	s0 =	simm.s32 @p2 $0x1  }
0x17: {  	s4 =	simm.s32 $0x1BF5;
	[smem:$0x3FBA] =	sst s0  }
0x18: {  	s0 =	sld [smem:$0x3F9D];
	_ =	swait.ge [sflag:s4], $0x0  }
0x19: {  	s7 =	sld [smem:$0x3F9E]  }
0x1a: {  	s8 =	sadd.s32 $0xFFFFE003, lr  }
0x1b: {  	s9 =	sadd.s32 $0xFFFFFEF7, lr;
	s5 =	simm.s32 $0xFFFFFFFF;
	p2 =	slt.u32 s8, $0xFFFFF086  }
0x1c: {  	p1 =	slt.u32 s9, $0xF7A;
	s5 =	simm.s32 @!p2 $0x0  }
0x1d: {  	s5 =	simm.s32 @p1 $0x1;
	p0 =	seq.s32 s7, s2  }
0x1e: {  	s7 =	smul.u32 @!p0 $0xF7A, s2;
	p2 =	seq.s32 @!p0 s5, $0x0  }
0x1f: {  	s9 =	smul.u32 $0xF7A, s1;
	s8 =	simm.s32 @!p0 $0x1BF5;
	p2 =	por !p2, p0  }
0x20: {  	[sflag:s8] =	ssyncset.s32 @!p0 $0xFFFFF086;
	s6 =	sadd.s32 @!p0 s3, s7;
	s7 =	simm.s32 @!p0 $0x108  }
0x21: {  	s3 =	sadd.s32 s3, s9;
	s6 =	sadd.s32 @!p0 $0x88, s6;
	s7 =	simm.s32 @p2 $0x1082  }
0x22: {  	[simem:s7], [sflag:s8] =	dma.local @!p0 [hbm:s6], $0xF7A  }
0x23: {  	s9 =	sor.u32 $0xD0000000, s2;
	s6 =	simm.s32 $0x108;
	_ =	swait.ge @!p0 [sflag:s8], $0x0  }
0x24: {  	s3 =	sadd.s32 $0x88, s3;
	s6 =	simm.s32 @!p1 $0x1082;
	[sflag:s4] =	ssyncset.s32 $0xFFFFF086  }
0x25: {  	[simem:s6], [sflag:s4] =	dma.local [hbm:s3], $0xF7A  }
0x26: {  	[smem:$0x3F9E] =	sst s1;
	(tag) =	ssettag s2;
	_ =	strace s9  }
0x27: {  	s1 =	sld [smem:$0x3FAE]  }
0x28: {  	s2 =	sld [smem:$0x3FAF]  }
0x29: {  	s4 =	sld [smem:$0x3FB1]  }
0x2a: {  	p0 =	seq.s32 s5, $0x0;
	s5 =	sld [smem:$0x3FB2]  }
0x2b: {  	s6 =	sld [smem:$0x3FB3]  }
0x2c: {  	s7 =	sld [smem:$0x3FB4]  }
0x2d: {  	s3 =	simm.s32 $0x108;
	s8 =	sld [smem:$0x3FB5]  }
0x2e: {  	s3 =	simm.s32 @!p0 $0x1082;
	s9 =	sld [smem:$0x3FB6]  }
0x2f: {  	lr =	sadd.s32 s0, s3;
	s0 =	sld [smem:$0x3FAD]  }
0x30: {  	s3 =	sld [smem:$0x3FB0]  }
0x31: {  	[smem:$0x3FB9] =	sst s10  }
0x32: {  	s10 =	sld [smem:$0x3FB7];
	_ =	sdelay $0x3  }
0x33: {  	p0 =	seq.s32 s10, $0x1;
	s10 =	sld [smem:$0x3FB9];
	_ =	sdelay $0x3  }
0x34: {  	[smem:$0x3FB9] =	sst s10  }
0x35: {  	s10 =	sld [smem:$0x3FB8];
	_ =	sdelay $0x3  }
0x36: {  	p1 =	seq.s32 s10, $0x1;
	s10 =	sld [smem:$0x3FB9];
	_ =	sdelay $0x3  }
0x37: {  	[smem:$0x3FB9] =	sst s10  }
0x38: {  	s10 =	sld [smem:$0x3FBA]  }
0x39: {  	_ = 	snop;
	(pc) =	sbr.ind lr, $3  }
0x3a: {  	_ = 	snop  }
0x3b: {  	_ = 	snop  }
0x3c: {  	p2 =	seq.s32 s10, $0x1;
	s10 =	sld [smem:$0x3FB9]  }
0x3d: {  	_ =	shalt  }
0x3e: {  	_ =	shalt  }
0x3f: {  	_ =	shalt  }
0x40: {  	_ =	shalt  }
0x41: {  	_ =	shalt  }
0x42: {  	_ =	shalt  }
0x43: {  	_ =	shalt  }
0x44: {  	_ =	shalt  }
0x45: {  	_ =	shalt  }
0x46: {  	_ =	shalt  }
0x47: {  	_ =	shalt  }
0x48: {  	_ =	shalt  }
0x49: {  	_ =	shalt  }
0x4a: {  	_ =	shalt  }
0x4b: {  	_ =	shalt  }
0x4c: {  	_ =	shalt  }
0x4d: {  	_ =	shalt  }
0x4e: {  	_ =	shalt  }
0x4f: {  	_ =	shalt  }
0x50: {  	_ =	shalt  }
0x51: {  	_ =	shalt  }
0x52: {  	_ =	shalt  }
0x53: {  	_ =	shalt  }
0x54: {  	_ =	shalt  }
0x55: {  	_ =	shalt  }
0x56: {  	_ =	shalt  }
0x57: {  	_ =	shalt  }
0x58: {  	_ =	shalt  }
0x59: {  	_ =	shalt  }
0x5a: {  	_ =	shalt  }
0x5b: {  	_ =	shalt  }
0x5c: {  	_ =	shalt  }
0x5d: {  	_ =	shalt  }
0x5e: {  	_ =	shalt  }
0x5f: {  	_ =	shalt  }
0x60: {  	_ =	shalt  }
0x61: {  	_ =	shalt  }
0x62: {  	_ =	shalt  }
0x63: {  	_ =	shalt  }
0x64: {  	_ =	shalt  }
0x65: {  	_ =	shalt  }
0x66: {  	_ =	shalt  }
0x67: {  	_ =	shalt  }
0x68: {  	_ =	shalt  }
0x69: {  	_ =	shalt  }
0x6a: {  	_ =	shalt  }
0x6b: {  	_ =	shalt  }
0x6c: {  	_ =	shalt  }
0x6d: {  	_ =	shalt  }
0x6e: {  	_ =	shalt  }
0x6f: {  	_ =	shalt  }
0x70: {  	_ =	shalt  }
0x71: {  	_ =	shalt  }
0x72: {  	_ =	shalt  }
0x73: {  	_ =	shalt  }
0x74: {  	_ =	shalt  }
0x75: {  	_ =	shalt  }
0x76: {  	_ =	shalt  }
0x77: {  	_ =	shalt  }
0x78: {  	_ =	shalt  }
0x79: {  	_ =	shalt  }
0x7a: {  	_ =	shalt  }
0x7b: {  	_ =	shalt  }
0x7c: {  	_ =	shalt  }
0x7d: {  	_ =	shalt  }
0x7e: {  	_ =	shalt  }
0x7f: {  	_ =	shalt  }
0x80: {  	_ =	shalt  }
0x81: {  	_ =	shalt  }
0x82: {  	_ =	shalt  }
0x83: {  	_ =	shalt  }
0x84: {  	_ =	shalt  }
0x85: {  	_ =	shalt  }
0x86: {  	_ =	shalt  }
0x87: {  	_ =	shalt  }
.Lfunc_end0:
.L_simem_size_0:
called_computation_lowered:
.L_overlay_start_0:
0x88: {  	s2 =	sld [smem:$0x3FD9]  }
0x89: {  	s3 =	sld [smem:$0x3FFE];
	_ =	sdelay $0x1  }
0x8a: {  	s1 =	srdreg.scid  }
0x8b: {  	s0 =	sand.u32 $0x1, s1  }
0x8c: {  	s17 =	sshll.u32 s0, $0xA;
	s2 =	sadd.s32 s3, s2  }
0x8d: {  	s2 =	sadd.s32 s2, s17  }
0x8e: {  	[smem:$0x3FC5] =	sst s2  }
0x8f: {  	_ = 	snop  }
0x90: {  	s2 =	sld [smem:$0x3FD0];
	(tm) =	ssettm $0x1  }
0x91: {  	s18 =	sld [smem:$0x3FFB];
	_ =	sdelay $0x3  }
0x92: {  	_ =	strace s18  }
0x93: {  	s3 =	sld [smem:$0x3FFC];
	_ =	sdelay $0x3  }
0x94: {  	_ =	strace s3  }
0x95: {  	s3 =	sld [smem:$0x3FFD];
	_ =	sdelay $0x3  }
0x96: {  	_ =	strace s3  }
0x97: {  	_ =	strace $0x8FFFFFFF  }
0x98: {  	s19 =	sld [smem:$0x3FDB];
	_ =	sdelay $0x1  }
0x99: {  	s4 =	simm.s32 $_scs_section_size  }
0x9a: {  	s5 =	simm.s32 $_size__tile_overlayer_lowered;
	s6 =	simm.s32 $_tile_overlayer_lowered  }
0x9b: {  	s22 =	simm.s32 $0x1BFF;
	s21 =	sshll.u32 s6, $0x1;
	s3 =	sadd.s32 s4, s19  }
0x9c: {  	s7 =	simm.s32 $0x0;
	s20 =	sshll.u32 s5, $0x1;
	s5 =	sadd.s32 s21, s3  }
0x9d: {  	[timem:s7], [sflag:s22] =	dma.local [hbm:s5], s20  }
0x9e: {  	_ =	swait.ge [sflag:s22], s20  }
0x9f: {  	s4 =	ssub.s32 $0x0, s20;
	[sflag:s22] =	ssyncset.done $0x0  }
0xa0: {  	[sflag:s22] =	ssyncadd.s32 s4;
	_ =	sdelay $0x1  }
0xa1: {  	s23 =	simm.s32 $0x1B8B  }
0xa2: {  	_ =	swait.ge [sflag:s23], $0x1  }
0xa3: {  	[sflag:s23] =	ssyncset.done $0x0  }
0xa4: {  	s25 =	simm.s32 $0x1B8E;
	s24 =	sld [smem:$0x3FFE];
	[sflag:s23] =	ssyncadd.s32 $0xFFFFFFFF  }
0xa5: {  	s26 =	simm.s32 $execute0_lowered;
	[smem:$0x3FD2] =	sst s25  }
0xa6: {  	s5 =	sshll.u32 s26, $0x1;
	_ =	strace $0x80000046;
	[dreg:$0x1] =	wrdreg $0xFFFFFFFF  }
0xa7: {  	s28 =	simm.s32 $_size_execute0_lowered;
	s3 =	sadd.s32 s3, s5;
	[dreg:$0x0] =	wrdreg $0x0  }
0xa8: {  	s5 =	sshll.u32 s28, $0x1;
	[dreg:$0x2] =	wrdreg s3  }
0xa9: {  	[dreg:$0x3] =	wrdreg s5  }
0xaa: {  	[dreg:$0x4] =	wrdreg $0xC0  }
0xab: {  	_ =	task [dreg:s7], $0x5FFFF  }
0xac: {  	[dreg:$0x1] =	wrdreg $0xFFFFFFFF  }
0xad: {  	[dreg:$0x0] =	wrdreg $0x60  }
0xae: {  	[dreg:$0x2] =	wrdreg s24  }
0xaf: {  	[dreg:$0x3] =	wrdreg s2  }
0xb0: {  	[dreg:$0x4] =	wrdreg $0x9  }
0xb1: {  	_ =	task.clear_ibuf [dreg:s7], $0x5FFFF;
	_ =	strace $0x90000046  }
0xb2: {  	s29 =	simm.s32 $0x9;
	_ =	strace $0x80000048  }
0xb3: {  	_ =	swait.ge [sflag:s29], $0x1  }
0xb4: {  	[sflag:s29] =	ssyncadd.s32 $0xFFFFFFFF  }
0xb5: {  	_ =	strace $0x90000048  }
0xb6: {  	_ =	sfence  }
0xb7: {  	s30 =	sld [smem:$0x0];
	_ =	sdelay $0x2  }
0xb8: {  	s31 =	sshll.u32 s1, $0xD;
	s1 =	sshrl.u32 s1, $0x2  }
0xb9: {  	s3 =	sand.u32 $0x4000, s31;
	s1 =	sadd.s32 s1, s30  }
0xba: {  	s0 =	sor.u32 s3, s0;
	s1 =	sshll.u32 s1, $0x11  }
0xbb: {  	s0 =	sor.u32 s1, s0  }
0xbc: {  	s0 =	sadd.s32 $0x8F2B, s0  }
0xbd: {  	[sflag:s0] =	ssyncadd.remote.s32 $0x1  }
0xbe: {  	_ =	sfence.sel $0xFFFF  }
0xbf: {  	[dreg:$0x0] =	wrdreg $0xFFFFFFFF;
	(pc) =	sbr.abs _section_cstart, $3  }
0xc0: {  	[dreg:$0x1] =	wrdreg $0xFFFFFFFF  }
0xc1: {  	_ =	task.clear_ibuf [dreg:s7], $0x2FFFF;
	_ =	strace $0x9FFFFFFF  }
0xc2: {  	(tm) =	ssettm $0x7FFFFFFF  }
0xc3: {  	_ =	shalt  }
tec
execute0_lowered:
.L_overlay_start_1:
0x0: {  	(tag) =	ssettag $0x1  }
0x1: {  	s1 =	srdreg.scid;
	s2 =	rddreg [dreg:$0x0]  }
0x2: {  	s0 =	stileid.u32;
	s4 =	rddreg [dreg:$0x1];
	s6 =	sand.u32 $0x1, s1  }
0x3: {  	s3 =	simm.s32 $0x0;
	s5 =	sshll.u32 s0, $0x6;
	s7 =	sshll.u32 s6, $0x5  }
0x4: {  	[smem:$0x7FF] =	sst s3;
	s8 =	sor.u32 s7, s5  }
0x5: {  	s1 =	rddreg [dreg:$0x2];
	_ =	strace $0x80000047;
	s5 =	sshrl.u32 s8, $0x3  }
0x6: {  	s9 =	ssub.s32 $0x2, s6;
	s5 =	sadd.s32 s4, s5;
	s4 =	simm.s32 $0x2  }
0x7: {  	[tilespmem:s3], [sflag:$0x2] =	stream.linear.gather [hbm4b:s5+s3], $0x20, $0x38;
	[tilespmem:$0x220] =	vst v63  }
0x8: {  	s10 =	sshrl.u32 s9, $0x1;
	_ =	swait.ge [sflag:s4], $0x20  }
0x9: {  	s6 =	simm.s32 $0x20;
	s9 =	ssub.s32 s9, s10;
	[sflag:s4] =	ssyncset.done $0x0  }
0xa: {  	s7 =	simm.s32 $0x1;
	s9 =	smax.u32 s9, $0x1;
	[sflag:s4] =	ssyncadd.s32 $0xFFFFFFE0  }
0xb: {  	[tilespmem:s6], [sflag:$0x1] =	stream.indirect.gather [hbm4b:s2+s6], $0x10, s3, s6, $0xb8;
	[tilespmem:$0x220] =	vst v63  }
0xc: {  	s8 =	sshll.u32 s8, $0x1;
	p0 =	sne.s32 s9, $0x1;
	_ =	swait.ge [sflag:s7], $0x200  }
.Ltmp0:
0xd: {  	s8 =	sadd.s32 s8, s2;
	[sflag:s7] =	ssyncset.done $0x0;
	(pc) =	sbr.rel @!p0 .LBB2_2-.Ltmp0, $4  }
0xe: {  	s8 =	sadd.s32 $0x9E00, s8;
	[sflag:s7] =	ssyncadd.s32 $0xFFFFFE00  }
0xf: {  	[hbm4b:s8+s3] =	stream.linear.scatter [tilespmem:s6], [sflag:$0x2], $0x200, $0x38;
	[tilespmem:$0x220] =	vst v63  }
0x10: {  	_ =	swait.ge [sflag:s4], $0x200  }
0x11: {  	s9 =	sadd.s32 $0xFFFFFFFF, s9;
	[sflag:s4] =	ssyncset.done $0x0  }
.LBB2_1:
0x12: {  	p0 =	sne.s32 s9, $0x1;
	s9 =	sadd.s32 $0xFFFFFFFF, s9;
	[sflag:s4] =	ssyncadd.s32 $0xFFFFFE00  }
0x13: {  	[tilespmem:s3], [sflag:$0x2] =	stream.linear.gather [hbm4b:s5+s3], $0x20, $0x38;
	[tilespmem:$0x220] =	vst v63  }
0x14: {  	_ =	swait.ge [sflag:s4], $0x20  }
0x15: {  	[sflag:s4] =	ssyncset.done $0x0  }
0x16: {  	[sflag:s4] =	ssyncadd.s32 $0xFFFFFFE0  }
0x17: {  	[tilespmem:s6], [sflag:$0x1] =	stream.indirect.gather [hbm4b:s2+s6], $0x10, s3, s6, $0xb8;
	[tilespmem:$0x220] =	vst v63  }
0x18: {  	_ =	swait.ge [sflag:s7], $0x200  }
.Ltmp1:
0x19: {  	[sflag:s7] =	ssyncset.done $0x0;
	(pc) =	sbr.rel @p0 .LBB2_1-.Ltmp1, $4  }
0x1a: {  	[sflag:s7] =	ssyncadd.s32 $0xFFFFFE00  }
0x1b: {  	[hbm4b:s8+s3] =	stream.linear.scatter [tilespmem:s6], [sflag:$0x2], $0x200, $0x38;
	[tilespmem:$0x220] =	vst v63  }
0x1c: {  	_ =	swait.ge [sflag:s4], $0x200  }
0x1d: {  	[sflag:s4] =	ssyncset.done $0x0  }
.LBB2_2:
0x1e: {  	[sflag:s4] =	ssyncadd.s32 $0xFFFFFE00  }
0x1f: {  	_ =	sfence.sel $0x180000  }
0x20: {  	[bflag:$0x0] =	sbarrier.arrive $0xFFFF  }
0x21: {  	p0 =	sne.s32 s0, $0x0;
	_ =	strace $0x90000047  }
0x22: {  	s0 =	sadd.s32 @!p0 $0x100000, s1;
	[bflag:$0x2] =	sbarrier.arrive $0xFFFF  }
0x23: {  	[sflag:s0] =	ssyncadd.tile.s32 @!p0 $0x1;
	_ =	shalt  }
.Lfunc_end2:
_tile_overlayer_lowered:
.L_overlay_start_2:
0x24: {  	(tag) =	ssettag $0x2  }
0x25: {  	s0 =	rddreg [dreg:$0x0];
	s2 =	stileid.u32  }
0x26: {  	s1 =	rddreg [dreg:$0x1];
	p0 =	sne.s32 s2, $0x0  }
0x27: {  	s3 =	rddreg [dreg:$0x2];
	[bflag:$0x3] =	sbarrier.arrive $0xFFFF;
	s2 =	simm.s32 @!p0 $0x1C02  }
0x28: {  	[timem:s3], [sflag:s2] =	dma.local @!p0 [hbm:s0], s1  }
0x29: {  	s0 =	simm.s32 @!p0 $0x2  }
0x2a: {  	_ =	swait.ge @!p0 [sflag:s0], s1  }
0x2b: {  	s1 =	ssub.s32 @!p0 $0x0, s1;
	[sflag:s0] =	ssyncset.done @!p0 $0x0  }
0x2c: {  	[sflag:s0] =	ssyncadd.s32 @!p0 s1  }
0x2d: {  	[bflag:$0x3] =	sbarrier.arrive $0xFFFF  }
0x2e: {  	_ =	shalt  }

</sc_bundles>
